<compile_context>
chip_gen: v7x
topology: tpu7x:2x2x1
jax: 0.10.2.dev20260603
libtpu: 0.0.44.dev20260713+nightly
codegen_flags: <defaults>
</compile_context>

<pallas_src>
import functools

import jax
import jax.numpy as jnp
from jax import lax
from jax.experimental import pallas as pl
from jax.experimental.pallas import tpu as pltpu
from jax.experimental.pallas import tpu_sc as plsc

_B = 16384
_D = 16
_H = 128
_K = 8

_NC, _NS = 2, 16
_NW = _NC * _NS
_BPW = _B // _NW


@functools.cache
def _get_sc_gather():
    mesh = plsc.VectorSubcoreMesh(core_axis_name="c", subcore_axis_name="s",
                                  num_cores=_NC, num_subcores=_NS)

    @functools.partial(
        pl.kernel,
        mesh=mesh,
        out_type=(
            jax.ShapeDtypeStruct((_B, _D), jnp.float32),
            jax.ShapeDtypeStruct((_B, _D), jnp.float32),
            jax.ShapeDtypeStruct((_B,), jnp.float32),
            jax.ShapeDtypeStruct((_B,), jnp.float32),
        ),
        scratch_types=[
            pltpu.VMEM((_BPW,), jnp.int32),
            pltpu.VMEM((_BPW,), jnp.int32),
            pltpu.VMEM((_BPW, _D), jnp.float32),
            pltpu.VMEM((_BPW, _D), jnp.float32),
            pltpu.VMEM((_BPW,), jnp.float32),
            pltpu.VMEM((_BPW,), jnp.float32),
            pltpu.SemaphoreType.DMA,
            pltpu.SemaphoreType.DMA,
            pltpu.SemaphoreType.DMA,
            pltpu.SemaphoreType.DMA,
        ],
        compiler_params=pltpu.CompilerParams(use_tc_tiling_on_sc=False),
    )
    def sc_gather(uemb, iemb, ubias, ibias, uidx, iidx,
                  ue_out, ie_out, ub_out, ib_out,
                  uidx_v, iidx_v, urows, irows, ubr, ibr,
                  s0, s1, s2, s3):
        wid = lax.axis_index("s") * _NC + lax.axis_index("c")
        base = wid * _BPW
        pltpu.sync_copy(uidx.at[pl.ds(base, _BPW)], uidx_v)
        pltpu.sync_copy(iidx.at[pl.ds(base, _BPW)], iidx_v)
        cu = pltpu.async_copy(uemb.at[uidx_v], urows, s0)
        ci = pltpu.async_copy(iemb.at[iidx_v], irows, s1)
        cub = pltpu.async_copy(ubias.at[uidx_v], ubr, s2)
        cib = pltpu.async_copy(ibias.at[iidx_v], ibr, s3)
        cu.wait()
        pltpu.sync_copy(urows, ue_out.at[pl.ds(base, _BPW)])
        ci.wait()
        pltpu.sync_copy(irows, ie_out.at[pl.ds(base, _BPW)])
        cub.wait()
        pltpu.sync_copy(ubr, ub_out.at[pl.ds(base, _BPW)])
        cib.wait()
        pltpu.sync_copy(ibr, ib_out.at[pl.ds(base, _BPW)])

    return sc_gather


_R = 2048


def _mlp_body(ue, ie, cat, ub, ib, w1, b1, w2, b2, w3, b3, w4, b4, w5, c0,
              out):
    ie_ = ie[...]
    h = jnp.maximum(jnp.dot(ie_, w1[...], preferred_element_type=jnp.float32,
                            precision=jax.lax.Precision.HIGHEST)
                    + b1[...], 0.0)
    h = jnp.maximum(jnp.dot(h, w2[...], preferred_element_type=jnp.float32,
                            precision=jax.lax.Precision.HIGHEST)
                    + b2[...], 0.0)
    ws = jnp.dot(h, w3[...], preferred_element_type=jnp.float32,
                            precision=jax.lax.Precision.HIGHEST) + b3[...]
    z = jnp.concatenate([ue[...] * ie_, ws * cat[...]], axis=1)
    h4 = jnp.maximum(jnp.dot(z, w4[...], preferred_element_type=jnp.float32,
                            precision=jax.lax.Precision.HIGHEST)
                     + b4[...], 0.0)
    mlp = jnp.sum(h4 * w5[...], axis=1)
    score = mlp + ub[...] + ib[...] + c0[0, 0]
    out[...] = jax.nn.sigmoid(score)


_mlp = pl.pallas_call(
    _mlp_body,
    grid=(_B // _R,),
    in_specs=[
        pl.BlockSpec((_R, _D), lambda i: (i, 0)),
        pl.BlockSpec((_R, _D), lambda i: (i, 0)),
        pl.BlockSpec((_R, _K), lambda i: (i, 0)),
        pl.BlockSpec((_R,), lambda i: (i,)),
        pl.BlockSpec((_R,), lambda i: (i,)),
        pl.BlockSpec((_D, 2 * _H), lambda i: (0, 0)),
        pl.BlockSpec((1, 2 * _H), lambda i: (0, 0)),
        pl.BlockSpec((2 * _H, _H), lambda i: (0, 0)),
        pl.BlockSpec((1, _H), lambda i: (0, 0)),
        pl.BlockSpec((_H, _K), lambda i: (0, 0)),
        pl.BlockSpec((1, _K), lambda i: (0, 0)),
        pl.BlockSpec((_D + _K, _H), lambda i: (0, 0)),
        pl.BlockSpec((1, _H), lambda i: (0, 0)),
        pl.BlockSpec((1, _H), lambda i: (0, 0)),
        pl.BlockSpec(memory_space=pltpu.SMEM),
    ],
    out_specs=pl.BlockSpec((_R,), lambda i: (i,)),
    out_shape=jax.ShapeDtypeStruct((_B,), jnp.float32),
)


def kernel(user, item, item_cat_vector, user_emb, item_emb, user_bias,
           item_bias, global_bias, W1, b1, W2, b2, W3, b3, W4, b4, W5, b5):
    u = user.reshape(-1).astype(jnp.int32)
    it = item.reshape(-1).astype(jnp.int32)
    ue, ie, ub, ib = _get_sc_gather()(user_emb, item_emb,
                                      user_bias.reshape(-1),
                                      item_bias.reshape(-1), u, it)
    c0 = (global_bias + b5[0]).reshape(1, 1).astype(jnp.float32)
    return _mlp(ue, ie, item_cat_vector, ub, ib,
                W1, b1.reshape(1, -1), W2, b2.reshape(1, -1),
                W3[:, :_K], b3[:_K].reshape(1, -1),
                W4[:_D + _K], b4.reshape(1, -1), W5.reshape(1, -1), c0)

# --- scband reference (transcript-rebuilt; emitter-appended) ---
"""Pipeline reference for scband-fair-biased-mf-69561290326242 (READ-ONLY COPY).

The authoritative reference and input builder live on the scoring server;
editing this copy changes nothing except your own understanding.
"""

import jax, jax.numpy as jnp
import numpy as np

B = 16384
U = 1000000
I = 1000000
D = 16
H = 128
K = 8
ED = 2 * K + 16  # 32


def setup_inputs(seed: int = 0) -> dict:
    key = jax.random.key(seed)
    ks = jax.random.split(key, 20)
    inp = {}
    inp['user'] = jax.random.randint(ks[0], (B,), 0, U)
    inp['item'] = jax.random.randint(ks[1], (B,), 0, I)
    inp['item_cat_vector'] = jax.random.uniform(ks[2], (B, K), dtype=jnp.float32)
    # embedding tables (init std=0.01 like the torch module)
    inp['user_emb'] = 0.01 * jax.random.normal(ks[3], (U, D), dtype=jnp.float32)
    inp['item_emb'] = 0.01 * jax.random.normal(ks[4], (I, D), dtype=jnp.float32)
    inp['user_bias'] = 0.01 * jax.random.normal(ks[5], (U, 1), dtype=jnp.float32)
    inp['item_bias'] = 0.01 * jax.random.normal(ks[6], (I, 1), dtype=jnp.float32)
    inp['global_bias'] = jnp.zeros((), dtype=jnp.float32)
    # sensitive net: Linear(D, 2H) -> ReLU -> Linear(2H, H) -> ReLU -> Linear(H, ED)
    inp['W1'] = jax.random.normal(ks[7], (D, 2 * H), dtype=jnp.float32) / np.sqrt(D)
    inp['b1'] = jnp.zeros((2 * H,), dtype=jnp.float32)
    inp['W2'] = jax.random.normal(ks[8], (2 * H, H), dtype=jnp.float32) / np.sqrt(2 * H)
    inp['b2'] = jnp.zeros((H,), dtype=jnp.float32)
    inp['W3'] = jax.random.normal(ks[9], (H, ED), dtype=jnp.float32) / np.sqrt(H)
    inp['b3'] = jnp.zeros((ED,), dtype=jnp.float32)
    # final mlp: Linear(D + ED, H) -> ReLU -> Linear(H, 1)
    inp['W4'] = jax.random.normal(ks[10], (D + ED, H), dtype=jnp.float32) / np.sqrt(D + ED)
    inp['b4'] = jnp.zeros((H,), dtype=jnp.float32)
    inp['W5'] = jax.random.normal(ks[11], (H, 1), dtype=jnp.float32) / np.sqrt(H)
    inp['b5'] = jnp.zeros((1,), dtype=jnp.float32)
    return inp


def reference(user, item, item_cat_vector, user_emb, item_emb, user_bias, item_bias,
              global_bias, W1, b1, W2, b2, W3, b3, W4, b4, W5, b5):
    u = user.reshape(-1)
    i = item.reshape(-1)
    # dropout is identity at inference time
    u_e = jnp.take(user_emb, u, axis=0)
    i_e = jnp.take(item_emb, i, axis=0)
    base_vec = u_e * i_e
    # sensitive net
    h = jax.nn.relu(i_e @ W1 + b1)
    h = jax.nn.relu(h @ W2 + b2)
    w_s_expanded = h @ W3 + b3
    batch = item_cat_vector.shape[0]
    k = item_cat_vector.shape[1]
    expanded_indicator = jnp.concatenate(
        [item_cat_vector, jnp.zeros((batch, ED - k), dtype=item_cat_vector.dtype)], axis=1)
    fairness_vec = w_s_expanded * expanded_indicator
    z = jnp.concatenate([base_vec, fairness_vec], axis=1)
    mlp_score = (jax.nn.relu(z @ W4 + b4) @ W5 + b5).reshape(-1)
    score = (global_bias
             + jnp.take(user_bias, u, axis=0).reshape(-1)
             + jnp.take(item_bias, i, axis=0).reshape(-1)
             + mlp_score)
    return jax.nn.sigmoid(score)

if __name__ == "__main__":
    import jax
    _d = setup_inputs()
    print(jax.jit(kernel)(*tuple(_d.values())))

</pallas_src>

<mosaic_0001>
#map = affine_map<(d0, d1) -> (0, 0)>
#map1 = affine_map<(d0, d1) -> (0)>
module attributes {stable_mosaic.version = 14 : i64} {
  func.func @sc_gather(%arg0: i32, %arg1: i32, %arg2: memref<1000000x16xf32, #tpu.memory_space<hbm>>, %arg3: memref<1000000x16xf32, #tpu.memory_space<hbm>>, %arg4: memref<1000000xf32, #tpu.memory_space<hbm>>, %arg5: memref<1000000xf32, #tpu.memory_space<hbm>>, %arg6: memref<16384xi32, #tpu.memory_space<hbm>>, %arg7: memref<16384xi32, #tpu.memory_space<hbm>>, %arg8: memref<16384x16xf32, #tpu.memory_space<hbm>>, %arg9: memref<16384x16xf32, #tpu.memory_space<hbm>>, %arg10: memref<16384xf32, #tpu.memory_space<hbm>>, %arg11: memref<16384xf32, #tpu.memory_space<hbm>>, %arg12: memref<512xi32, #tpu.memory_space<vmem>>, %arg13: memref<512xi32, #tpu.memory_space<vmem>>, %arg14: memref<512x16xf32, #tpu.memory_space<vmem>>, %arg15: memref<512x16xf32, #tpu.memory_space<vmem>>, %arg16: memref<512xf32, #tpu.memory_space<vmem>>, %arg17: memref<512xf32, #tpu.memory_space<vmem>>, %arg18: memref<!tpu.dma_semaphore, #tpu.memory_space<semaphore_mem>>, %arg19: memref<!tpu.dma_semaphore, #tpu.memory_space<semaphore_mem>>, %arg20: memref<!tpu.dma_semaphore, #tpu.memory_space<semaphore_mem>>, %arg21: memref<!tpu.dma_semaphore, #tpu.memory_space<semaphore_mem>>) attributes {dimension_semantics = [#tpu.dimension_semantics<core_parallel>, #tpu.dimension_semantics<subcore_parallel>], iteration_bounds = array<i64: 2, 16>, scalar_prefetch = 0 : i64, scratch_operands = 10 : i64, tpu.core_type = #tpu.core_type<sc_vector_subcore>, window_params = [{transform_indices = #map}, {transform_indices = #map}, {transform_indices = #map1}, {transform_indices = #map1}, {transform_indices = #map1}, {transform_indices = #map1}, {transform_indices = #map}, {transform_indices = #map}, {transform_indices = #map1}, {transform_indices = #map1}]} {
    %mul3A = arith.constant 2 : i32
    %mul3A_0 = arith.muli %arg1, %mul3A : i32
    %add3A = arith.addi %mul3A_0, %arg0 : i32
    %mul3A_1 = arith.constant 512 : i32
    %mul3A_2 = arith.muli %add3A, %mul3A_1 : i32
    "tpu.region"() ({
      %run_scoped3A = tpu.sem_alloc : memref<!tpu.dma_semaphore, #tpu.memory_space<semaphore_mem>>
      %dma_start3A_21 = tpu.memref_slice %arg6[%mul3A_2] : memref<16384xi32, #tpu.memory_space<hbm>> -> memref<512xi32, #tpu.memory_space<hbm>>
      %dma_start3A_22 = tpu.memref_slice %arg6[%mul3A_2] : memref<16384xi32, #tpu.memory_space<hbm>> -> memref<512xi32, #tpu.memory_space<hbm>>
      tpu.enqueue_dma source(%dma_start3A_22 : memref<512xi32, #tpu.memory_space<hbm>>) target(%arg12 : memref<512xi32, #tpu.memory_space<vmem>>) target_semaphore(%run_scoped3A : memref<!tpu.dma_semaphore, #tpu.memory_space<semaphore_mem>>)
      %dma_wait3A_23 = tpu.memref_slice %arg6[%mul3A_2] : memref<16384xi32, #tpu.memory_space<hbm>> -> memref<512xi32, #tpu.memory_space<hbm>>
      %dma_wait3A_24 = tpu.memref_slice %arg6[%mul3A_2] : memref<16384xi32, #tpu.memory_space<hbm>> -> memref<512xi32, #tpu.memory_space<hbm>>
      tpu.wait_dma2 semaphore(%run_scoped3A : memref<!tpu.dma_semaphore, #tpu.memory_space<semaphore_mem>>) src(%dma_wait3A_24 : memref<512xi32, #tpu.memory_space<hbm>>) dst(%arg12 : memref<512xi32, #tpu.memory_space<vmem>>)
      tpu.yield
    }) : () -> ()
    "tpu.region"() ({
      %run_scoped3A = tpu.sem_alloc : memref<!tpu.dma_semaphore, #tpu.memory_space<semaphore_mem>>
      %dma_start3A_21 = tpu.memref_slice %arg7[%mul3A_2] : memref<16384xi32, #tpu.memory_space<hbm>> -> memref<512xi32, #tpu.memory_space<hbm>>
      %dma_start3A_22 = tpu.memref_slice %arg7[%mul3A_2] : memref<16384xi32, #tpu.memory_space<hbm>> -> memref<512xi32, #tpu.memory_space<hbm>>
      tpu.enqueue_dma source(%dma_start3A_22 : memref<512xi32, #tpu.memory_space<hbm>>) target(%arg13 : memref<512xi32, #tpu.memory_space<vmem>>) target_semaphore(%run_scoped3A : memref<!tpu.dma_semaphore, #tpu.memory_space<semaphore_mem>>)
      %dma_wait3A_23 = tpu.memref_slice %arg7[%mul3A_2] : memref<16384xi32, #tpu.memory_space<hbm>> -> memref<512xi32, #tpu.memory_space<hbm>>
      %dma_wait3A_24 = tpu.memref_slice %arg7[%mul3A_2] : memref<16384xi32, #tpu.memory_space<hbm>> -> memref<512xi32, #tpu.memory_space<hbm>>
      tpu.wait_dma2 semaphore(%run_scoped3A : memref<!tpu.dma_semaphore, #tpu.memory_space<semaphore_mem>>) src(%dma_wait3A_24 : memref<512xi32, #tpu.memory_space<hbm>>) dst(%arg13 : memref<512xi32, #tpu.memory_space<vmem>>)
      tpu.yield
    }) : () -> ()
    %dma_start3A = arith.constant 0 : i32
    %dma_start3A_3 = arith.constant 0 : i32
    %dma_start3A_4 = tpu.memref_slice %arg2[%dma_start3A, %dma_start3A_3] : memref<1000000x16xf32, #tpu.memory_space<hbm>> -> memref<1000000x16xf32, #tpu.memory_space<hbm>>
    tpu.enqueue_indirect_dma source(%dma_start3A_4 : memref<1000000x16xf32, #tpu.memory_space<hbm>>) target(%arg14 : memref<512x16xf32, #tpu.memory_space<vmem>>) offsets(%arg12 : memref<512xi32, #tpu.memory_space<vmem>>) semaphore(%arg18 : memref<!tpu.dma_semaphore, #tpu.memory_space<semaphore_mem>>)
    %dma_start3A_5 = arith.constant 0 : i32
    %dma_start3A_6 = arith.constant 0 : i32
    %dma_start3A_7 = tpu.memref_slice %arg3[%dma_start3A_5, %dma_start3A_6] : memref<1000000x16xf32, #tpu.memory_space<hbm>> -> memref<1000000x16xf32, #tpu.memory_space<hbm>>
    tpu.enqueue_indirect_dma source(%dma_start3A_7 : memref<1000000x16xf32, #tpu.memory_space<hbm>>) target(%arg15 : memref<512x16xf32, #tpu.memory_space<vmem>>) offsets(%arg13 : memref<512xi32, #tpu.memory_space<vmem>>) semaphore(%arg19 : memref<!tpu.dma_semaphore, #tpu.memory_space<semaphore_mem>>)
    %dma_start3A_8 = arith.constant 0 : i32
    %dma_start3A_9 = tpu.memref_slice %arg4[%dma_start3A_8] : memref<1000000xf32, #tpu.memory_space<hbm>> -> memref<1000000xf32, #tpu.memory_space<hbm>>
    tpu.enqueue_indirect_dma source(%dma_start3A_9 : memref<1000000xf32, #tpu.memory_space<hbm>>) target(%arg16 : memref<512xf32, #tpu.memory_space<vmem>>) offsets(%arg12 : memref<512xi32, #tpu.memory_space<vmem>>) semaphore(%arg20 : memref<!tpu.dma_semaphore, #tpu.memory_space<semaphore_mem>>)
    %dma_start3A_10 = arith.constant 0 : i32
    %dma_start3A_11 = tpu.memref_slice %arg5[%dma_start3A_10] : memref<1000000xf32, #tpu.memory_space<hbm>> -> memref<1000000xf32, #tpu.memory_space<hbm>>
    tpu.enqueue_indirect_dma source(%dma_start3A_11 : memref<1000000xf32, #tpu.memory_space<hbm>>) target(%arg17 : memref<512xf32, #tpu.memory_space<vmem>>) offsets(%arg13 : memref<512xi32, #tpu.memory_space<vmem>>) semaphore(%arg21 : memref<!tpu.dma_semaphore, #tpu.memory_space<semaphore_mem>>)
    %dma_wait3A = arith.constant 0 : i32
    %dma_wait3A_12 = arith.constant 0 : i32
    %dma_wait3A_13 = tpu.memref_slice %arg2[%dma_wait3A, %dma_wait3A_12] : memref<1000000x16xf32, #tpu.memory_space<hbm>> -> memref<1000000x16xf32, #tpu.memory_space<hbm>>
    tpu.wait_indirect_dma semaphore(%arg18 : memref<!tpu.dma_semaphore, #tpu.memory_space<semaphore_mem>>) src(%dma_wait3A_13 : memref<1000000x16xf32, #tpu.memory_space<hbm>>) dst(%arg14 : memref<512x16xf32, #tpu.memory_space<vmem>>)
    "tpu.region"() ({
      %run_scoped3A = tpu.sem_alloc : memref<!tpu.dma_semaphore, #tpu.memory_space<semaphore_mem>>
      %dma_start3A_21 = arith.constant 0 : i32
      %dma_start3A_22 = tpu.memref_slice %arg8[%mul3A_2, %dma_start3A_21] : memref<16384x16xf32, #tpu.memory_space<hbm>> -> memref<512x16xf32, #tpu.memory_space<hbm>>
      %dma_start3A_23 = arith.constant 0 : i32
      %dma_start3A_24 = tpu.memref_slice %arg8[%mul3A_2, %dma_start3A_23] : memref<16384x16xf32, #tpu.memory_space<hbm>> -> memref<512x16xf32, #tpu.memory_space<hbm>>
      tpu.enqueue_dma source(%arg14 : memref<512x16xf32, #tpu.memory_space<vmem>>) target(%dma_start3A_24 : memref<512x16xf32, #tpu.memory_space<hbm>>) target_semaphore(%run_scoped3A : memref<!tpu.dma_semaphore, #tpu.memory_space<semaphore_mem>>)
      %dma_wait3A_25 = arith.constant 0 : i32
      %dma_wait3A_26 = tpu.memref_slice %arg8[%mul3A_2, %dma_wait3A_25] : memref<16384x16xf32, #tpu.memory_space<hbm>> -> memref<512x16xf32, #tpu.memory_space<hbm>>
      %dma_wait3A_27 = arith.constant 0 : i32
      %dma_wait3A_28 = tpu.memref_slice %arg8[%mul3A_2, %dma_wait3A_27] : memref<16384x16xf32, #tpu.memory_space<hbm>> -> memref<512x16xf32, #tpu.memory_space<hbm>>
      tpu.wait_dma2 semaphore(%run_scoped3A : memref<!tpu.dma_semaphore, #tpu.memory_space<semaphore_mem>>) src(%arg14 : memref<512x16xf32, #tpu.memory_space<vmem>>) dst(%dma_wait3A_28 : memref<512x16xf32, #tpu.memory_space<hbm>>)
      tpu.yield
    }) : () -> ()
    %dma_wait3A_14 = arith.constant 0 : i32
    %dma_wait3A_15 = arith.constant 0 : i32
    %dma_wait3A_16 = tpu.memref_slice %arg3[%dma_wait3A_14, %dma_wait3A_15] : memref<1000000x16xf32, #tpu.memory_space<hbm>> -> memref<1000000x16xf32, #tpu.memory_space<hbm>>
    tpu.wait_indirect_dma semaphore(%arg19 : memref<!tpu.dma_semaphore, #tpu.memory_space<semaphore_mem>>) src(%dma_wait3A_16 : memref<1000000x16xf32, #tpu.memory_space<hbm>>) dst(%arg15 : memref<512x16xf32, #tpu.memory_space<vmem>>)
    "tpu.region"() ({
      %run_scoped3A = tpu.sem_alloc : memref<!tpu.dma_semaphore, #tpu.memory_space<semaphore_mem>>
      %dma_start3A_21 = arith.constant 0 : i32
      %dma_start3A_22 = tpu.memref_slice %arg9[%mul3A_2, %dma_start3A_21] : memref<16384x16xf32, #tpu.memory_space<hbm>> -> memref<512x16xf32, #tpu.memory_space<hbm>>
      %dma_start3A_23 = arith.constant 0 : i32
      %dma_start3A_24 = tpu.memref_slice %arg9[%mul3A_2, %dma_start3A_23] : memref<16384x16xf32, #tpu.memory_space<hbm>> -> memref<512x16xf32, #tpu.memory_space<hbm>>
      tpu.enqueue_dma source(%arg15 : memref<512x16xf32, #tpu.memory_space<vmem>>) target(%dma_start3A_24 : memref<512x16xf32, #tpu.memory_space<hbm>>) target_semaphore(%run_scoped3A : memref<!tpu.dma_semaphore, #tpu.memory_space<semaphore_mem>>)
      %dma_wait3A_25 = arith.constant 0 : i32
      %dma_wait3A_26 = tpu.memref_slice %arg9[%mul3A_2, %dma_wait3A_25] : memref<16384x16xf32, #tpu.memory_space<hbm>> -> memref<512x16xf32, #tpu.memory_space<hbm>>
      %dma_wait3A_27 = arith.constant 0 : i32
      %dma_wait3A_28 = tpu.memref_slice %arg9[%mul3A_2, %dma_wait3A_27] : memref<16384x16xf32, #tpu.memory_space<hbm>> -> memref<512x16xf32, #tpu.memory_space<hbm>>
      tpu.wait_dma2 semaphore(%run_scoped3A : memref<!tpu.dma_semaphore, #tpu.memory_space<semaphore_mem>>) src(%arg15 : memref<512x16xf32, #tpu.memory_space<vmem>>) dst(%dma_wait3A_28 : memref<512x16xf32, #tpu.memory_space<hbm>>)
      tpu.yield
    }) : () -> ()
    %dma_wait3A_17 = arith.constant 0 : i32
    %dma_wait3A_18 = tpu.memref_slice %arg4[%dma_wait3A_17] : memref<1000000xf32, #tpu.memory_space<hbm>> -> memref<1000000xf32, #tpu.memory_space<hbm>>
    tpu.wait_indirect_dma semaphore(%arg20 : memref<!tpu.dma_semaphore, #tpu.memory_space<semaphore_mem>>) src(%dma_wait3A_18 : memref<1000000xf32, #tpu.memory_space<hbm>>) dst(%arg16 : memref<512xf32, #tpu.memory_space<vmem>>)
    "tpu.region"() ({
      %run_scoped3A = tpu.sem_alloc : memref<!tpu.dma_semaphore, #tpu.memory_space<semaphore_mem>>
      %dma_start3A_21 = tpu.memref_slice %arg10[%mul3A_2] : memref<16384xf32, #tpu.memory_space<hbm>> -> memref<512xf32, #tpu.memory_space<hbm>>
      %dma_start3A_22 = tpu.memref_slice %arg10[%mul3A_2] : memref<16384xf32, #tpu.memory_space<hbm>> -> memref<512xf32, #tpu.memory_space<hbm>>
      tpu.enqueue_dma source(%arg16 : memref<512xf32, #tpu.memory_space<vmem>>) target(%dma_start3A_22 : memref<512xf32, #tpu.memory_space<hbm>>) target_semaphore(%run_scoped3A : memref<!tpu.dma_semaphore, #tpu.memory_space<semaphore_mem>>)
      %dma_wait3A_23 = tpu.memref_slice %arg10[%mul3A_2] : memref<16384xf32, #tpu.memory_space<hbm>> -> memref<512xf32, #tpu.memory_space<hbm>>
      %dma_wait3A_24 = tpu.memref_slice %arg10[%mul3A_2] : memref<16384xf32, #tpu.memory_space<hbm>> -> memref<512xf32, #tpu.memory_space<hbm>>
      tpu.wait_dma2 semaphore(%run_scoped3A : memref<!tpu.dma_semaphore, #tpu.memory_space<semaphore_mem>>) src(%arg16 : memref<512xf32, #tpu.memory_space<vmem>>) dst(%dma_wait3A_24 : memref<512xf32, #tpu.memory_space<hbm>>)
      tpu.yield
    }) : () -> ()
    %dma_wait3A_19 = arith.constant 0 : i32
    %dma_wait3A_20 = tpu.memref_slice %arg5[%dma_wait3A_19] : memref<1000000xf32, #tpu.memory_space<hbm>> -> memref<1000000xf32, #tpu.memory_space<hbm>>
    tpu.wait_indirect_dma semaphore(%arg21 : memref<!tpu.dma_semaphore, #tpu.memory_space<semaphore_mem>>) src(%dma_wait3A_20 : memref<1000000xf32, #tpu.memory_space<hbm>>) dst(%arg17 : memref<512xf32, #tpu.memory_space<vmem>>)
    "tpu.region"() ({
      %run_scoped3A = tpu.sem_alloc : memref<!tpu.dma_semaphore, #tpu.memory_space<semaphore_mem>>
      %dma_start3A_21 = tpu.memref_slice %arg11[%mul3A_2] : memref<16384xf32, #tpu.memory_space<hbm>> -> memref<512xf32, #tpu.memory_space<hbm>>
      %dma_start3A_22 = tpu.memref_slice %arg11[%mul3A_2] : memref<16384xf32, #tpu.memory_space<hbm>> -> memref<512xf32, #tpu.memory_space<hbm>>
      tpu.enqueue_dma source(%arg17 : memref<512xf32, #tpu.memory_space<vmem>>) target(%dma_start3A_22 : memref<512xf32, #tpu.memory_space<hbm>>) target_semaphore(%run_scoped3A : memref<!tpu.dma_semaphore, #tpu.memory_space<semaphore_mem>>)
      %dma_wait3A_23 = tpu.memref_slice %arg11[%mul3A_2] : memref<16384xf32, #tpu.memory_space<hbm>> -> memref<512xf32, #tpu.memory_space<hbm>>
      %dma_wait3A_24 = tpu.memref_slice %arg11[%mul3A_2] : memref<16384xf32, #tpu.memory_space<hbm>> -> memref<512xf32, #tpu.memory_space<hbm>>
      tpu.wait_dma2 semaphore(%run_scoped3A : memref<!tpu.dma_semaphore, #tpu.memory_space<semaphore_mem>>) src(%arg17 : memref<512xf32, #tpu.memory_space<vmem>>) dst(%dma_wait3A_24 : memref<512xf32, #tpu.memory_space<hbm>>)
      tpu.yield
    }) : () -> ()
    return
  }
}

module attributes {stable_mosaic.version = 14 : i64} {
  func.func @_mlp_body(%arg0: i32, %arg1: memref<2048x16xf32, #tpu.memory_space<vmem>>, %arg2: memref<2048x16xf32, #tpu.memory_space<vmem>>, %arg3: memref<2048x8xf32, #tpu.memory_space<vmem>>, %arg4: memref<2048xf32, #tpu.memory_space<vmem>>, %arg5: memref<2048xf32, #tpu.memory_space<vmem>>, %arg6: memref<16x256xf32, #tpu.memory_space<vmem>>, %arg7: memref<1x256xf32, #tpu.memory_space<vmem>>, %arg8: memref<256x128xf32, #tpu.memory_space<vmem>>, %arg9: memref<1x128xf32, #tpu.memory_space<vmem>>, %arg10: memref<128x8xf32, #tpu.memory_space<vmem>>, %arg11: memref<1x8xf32, #tpu.memory_space<vmem>>, %arg12: memref<24x128xf32, #tpu.memory_space<vmem>>, %arg13: memref<1x128xf32, #tpu.memory_space<vmem>>, %arg14: memref<1x128xf32, #tpu.memory_space<vmem>>, %arg15: memref<1x1xf32, #tpu.memory_space<smem>>, %arg16: memref<2048xf32, #tpu.memory_space<vmem>>) attributes {dimension_semantics = [#tpu.dimension_semantics<arbitrary>], iteration_bounds = array<i64: 8>, scalar_prefetch = 0 : i64, scratch_operands = 0 : i64, tpu.core_type = #tpu.core_type<tc>, window_params = [{transform_indices = @transform_0, window_bounds = array<i64: 2048, 16>}, {transform_indices = @transform_1, window_bounds = array<i64: 2048, 16>}, {transform_indices = @transform_2, window_bounds = array<i64: 2048, 8>}, {transform_indices = @transform_3, window_bounds = array<i64: 2048>}, {transform_indices = @transform_4, window_bounds = array<i64: 2048>}, {pipeline_mode = #tpu.pipeline_mode<synchronous>, transform_indices = @transform_5, window_bounds = array<i64: 16, 256>}, {pipeline_mode = #tpu.pipeline_mode<synchronous>, transform_indices = @transform_6, window_bounds = array<i64: 1, 256>}, {pipeline_mode = #tpu.pipeline_mode<synchronous>, transform_indices = @transform_7, window_bounds = array<i64: 256, 128>}, {pipeline_mode = #tpu.pipeline_mode<synchronous>, transform_indices = @transform_8, window_bounds = array<i64: 1, 128>}, {pipeline_mode = #tpu.pipeline_mode<synchronous>, transform_indices = @transform_9, window_bounds = array<i64: 128, 8>}, {pipeline_mode = #tpu.pipeline_mode<synchronous>, transform_indices = @transform_10, window_bounds = array<i64: 1, 8>}, {pipeline_mode = #tpu.pipeline_mode<synchronous>, transform_indices = @transform_11, window_bounds = array<i64: 24, 128>}, {pipeline_mode = #tpu.pipeline_mode<synchronous>, transform_indices = @transform_12, window_bounds = array<i64: 1, 128>}, {pipeline_mode = #tpu.pipeline_mode<synchronous>, transform_indices = @transform_13, window_bounds = array<i64: 1, 128>}, {transform_indices = @transform_14, window_bounds = array<i64: 1, 1>}, {transform_indices = @transform_15, window_bounds = array<i64: 2048>}]} {
    %get3A = arith.constant 0 : index
    %get3A_0 = arith.constant 0 : index
    %get3A_1 = vector.load %arg2[%get3A, %get3A_0] : memref<2048x16xf32, #tpu.memory_space<vmem>>, vector<2048x16xf32>
    %get3A_2 = arith.constant 0 : index
    %get3A_3 = arith.constant 0 : index
    %get3A_4 = vector.load %arg6[%get3A_2, %get3A_3] : memref<16x256xf32, #tpu.memory_space<vmem>>, vector<16x256xf32>
    %dot_general3A = arith.constant dense<0.000000e+00> : vector<2048x256xf32>
    %dot_general3A_5 = tpu.matmul %get3A_1, %get3A_4, %dot_general3A {dimension_numbers = #tpu.dot_dimension_numbers<[1], [0], [0], [1], [0, 0, 1, 1], [], []>, precision = #tpu.contract_precision<fp32>, transpose_lhs_hint = false} : vector<2048x16xf32>, vector<16x256xf32>, vector<2048x256xf32> -> vector<2048x256xf32>
    %get3A_6 = arith.constant 0 : index
    %get3A_7 = arith.constant 0 : index
    %get3A_8 = vector.load %arg7[%get3A_6, %get3A_7] : memref<1x256xf32, #tpu.memory_space<vmem>>, vector<1x256xf32>
    %add3A = vector.broadcast %get3A_8 : vector<1x256xf32> to vector<2048x256xf32>
    %add3A_9 = arith.addf %dot_general3A_5, %add3A : vector<2048x256xf32>
    %max3A = arith.constant 0.000000e+00 : f32
    %max3A_10 = vector.broadcast %max3A : f32 to vector<2048x256xf32>
    %max3A_11 = arith.maximumf %add3A_9, %max3A_10 : vector<2048x256xf32>
    %get3A_12 = arith.constant 0 : index
    %get3A_13 = arith.constant 0 : index
    %get3A_14 = vector.load %arg8[%get3A_12, %get3A_13] : memref<256x128xf32, #tpu.memory_space<vmem>>, vector<256x128xf32>
    %dot_general3A_15 = arith.constant dense<0.000000e+00> : vector<2048x128xf32>
    %dot_general3A_16 = tpu.matmul %max3A_11, %get3A_14, %dot_general3A_15 {dimension_numbers = #tpu.dot_dimension_numbers<[1], [0], [0], [1], [0, 0, 1, 1], [], []>, precision = #tpu.contract_precision<fp32>, transpose_lhs_hint = false} : vector<2048x256xf32>, vector<256x128xf32>, vector<2048x128xf32> -> vector<2048x128xf32>
    %get3A_17 = arith.constant 0 : index
    %get3A_18 = arith.constant 0 : index
    %get3A_19 = vector.load %arg9[%get3A_17, %get3A_18] : memref<1x128xf32, #tpu.memory_space<vmem>>, vector<1x128xf32>
    %add3A_20 = vector.broadcast %get3A_19 : vector<1x128xf32> to vector<2048x128xf32>
    %add3A_21 = arith.addf %dot_general3A_16, %add3A_20 : vector<2048x128xf32>
    %max3A_22 = arith.constant 0.000000e+00 : f32
    %max3A_23 = vector.broadcast %max3A_22 : f32 to vector<2048x128xf32>
    %max3A_24 = arith.maximumf %add3A_21, %max3A_23 : vector<2048x128xf32>
    %get3A_25 = arith.constant 0 : index
    %get3A_26 = arith.constant 0 : index
    %get3A_27 = vector.load %arg10[%get3A_25, %get3A_26] : memref<128x8xf32, #tpu.memory_space<vmem>>, vector<128x8xf32>
    %dot_general3A_28 = arith.constant dense<0.000000e+00> : vector<2048x8xf32>
    %dot_general3A_29 = tpu.matmul %max3A_24, %get3A_27, %dot_general3A_28 {dimension_numbers = #tpu.dot_dimension_numbers<[1], [0], [0], [1], [0, 0, 1, 1], [], []>, precision = #tpu.contract_precision<fp32>, transpose_lhs_hint = false} : vector<2048x128xf32>, vector<128x8xf32>, vector<2048x8xf32> -> vector<2048x8xf32>
    %get3A_30 = arith.constant 0 : index
    %get3A_31 = arith.constant 0 : index
    %get3A_32 = vector.load %arg11[%get3A_30, %get3A_31] : memref<1x8xf32, #tpu.memory_space<vmem>>, vector<1x8xf32>
    %add3A_33 = vector.broadcast %get3A_32 : vector<1x8xf32> to vector<2048x8xf32>
    %add3A_34 = arith.addf %dot_general3A_29, %add3A_33 : vector<2048x8xf32>
    %get3A_35 = arith.constant 0 : index
    %get3A_36 = arith.constant 0 : index
    %get3A_37 = vector.load %arg1[%get3A_35, %get3A_36] : memref<2048x16xf32, #tpu.memory_space<vmem>>, vector<2048x16xf32>
    %mul3A = arith.mulf %get3A_37, %get3A_1 : vector<2048x16xf32>
    %get3A_38 = arith.constant 0 : index
    %get3A_39 = arith.constant 0 : index
    %get3A_40 = vector.load %arg3[%get3A_38, %get3A_39] : memref<2048x8xf32, #tpu.memory_space<vmem>>, vector<2048x8xf32>
    %mul3A_41 = arith.mulf %add3A_34, %get3A_40 : vector<2048x8xf32>
    %concatenate3A = tpu.concatenate %mul3A, %mul3A_41 in 1 : vector<2048x16xf32>, vector<2048x8xf32> -> vector<2048x24xf32>
    %get3A_42 = arith.constant 0 : index
    %get3A_43 = arith.constant 0 : index
    %get3A_44 = vector.load %arg12[%get3A_42, %get3A_43] : memref<24x128xf32, #tpu.memory_space<vmem>>, vector<24x128xf32>
    %dot_general3A_45 = arith.constant dense<0.000000e+00> : vector<2048x128xf32>
    %dot_general3A_46 = tpu.matmul %concatenate3A, %get3A_44, %dot_general3A_45 {dimension_numbers = #tpu.dot_dimension_numbers<[1], [0], [0], [1], [0, 0, 1, 1], [], []>, precision = #tpu.contract_precision<fp32>, transpose_lhs_hint = false} : vector<2048x24xf32>, vector<24x128xf32>, vector<2048x128xf32> -> vector<2048x128xf32>
    %get3A_47 = arith.constant 0 : index
    %get3A_48 = arith.constant 0 : index
    %get3A_49 = vector.load %arg13[%get3A_47, %get3A_48] : memref<1x128xf32, #tpu.memory_space<vmem>>, vector<1x128xf32>
    %add3A_50 = vector.broadcast %get3A_49 : vector<1x128xf32> to vector<2048x128xf32>
    %add3A_51 = arith.addf %dot_general3A_46, %add3A_50 : vector<2048x128xf32>
    %max3A_52 = arith.constant 0.000000e+00 : f32
    %max3A_53 = vector.broadcast %max3A_52 : f32 to vector<2048x128xf32>
    %max3A_54 = arith.maximumf %add3A_51, %max3A_53 : vector<2048x128xf32>
    %get3A_55 = arith.constant 0 : index
    %get3A_56 = arith.constant 0 : index
    %get3A_57 = vector.load %arg14[%get3A_55, %get3A_56] : memref<1x128xf32, #tpu.memory_space<vmem>>, vector<1x128xf32>
    %mul3A_58 = vector.broadcast %get3A_57 : vector<1x128xf32> to vector<2048x128xf32>
    %mul3A_59 = arith.mulf %max3A_54, %mul3A_58 : vector<2048x128xf32>
    %reduce_sum3A = arith.constant dense<0.000000e+00> : vector<2048xf32>
    %reduce_sum3A_60 = vector.multi_reduction <add>, %mul3A_59, %reduce_sum3A [1] : vector<2048x128xf32> to vector<2048xf32>
    %get3A_61 = arith.constant 0 : index
    %get3A_62 = vector.load %arg4[%get3A_61] : memref<2048xf32, #tpu.memory_space<vmem>>, vector<2048xf32>
    %add3A_63 = arith.addf %reduce_sum3A_60, %get3A_62 : vector<2048xf32>
    %get3A_64 = arith.constant 0 : index
    %get3A_65 = vector.load %arg5[%get3A_64] : memref<2048xf32, #tpu.memory_space<vmem>>, vector<2048xf32>
    %add3A_66 = arith.addf %add3A_63, %get3A_65 : vector<2048xf32>
    %get3A_67 = arith.constant 0 : index
    %get3A_68 = arith.constant 0 : index
    %get3A_69 = memref.load %arg15[%get3A_67, %get3A_68] : memref<1x1xf32, #tpu.memory_space<smem>>
    %add3A_70 = vector.broadcast %get3A_69 : f32 to vector<2048xf32>
    %add3A_71 = arith.addf %add3A_66, %add3A_70 : vector<2048xf32>
    %logistic3A = arith.negf %add3A_71 : vector<2048xf32>
    %logistic3A_72 = math.exp %logistic3A : vector<2048xf32>
    %logistic3A_73 = arith.constant 1.000000e+00 : f32
    %logistic3A_74 = vector.broadcast %logistic3A_73 : f32 to vector<2048xf32>
    %logistic3A_75 = arith.addf %logistic3A_74, %logistic3A_72 : vector<2048xf32>
    %logistic3A_76 = arith.divf %logistic3A_74, %logistic3A_75 : vector<2048xf32>
    %swap3A = arith.constant 0 : index
    %swap3A_77 = vector.load %arg16[%swap3A] : memref<2048xf32, #tpu.memory_space<vmem>>, vector<2048xf32>
    tpu.vector_store %arg16[%swap3A], %logistic3A_76 {strides = array<i32>} : memref<2048xf32, #tpu.memory_space<vmem>>, vector<2048xf32>,
    return
  }
  func.func @transform_0(%arg0: i32) -> (i32, i32) {
    %c0_i32 = arith.constant 0 : i32
    %c0_i32_0 = arith.constant 0 : i32
    return %arg0, %c0_i32 : i32, i32
  }
  func.func @transform_1(%arg0: i32) -> (i32, i32) {
    %c0_i32 = arith.constant 0 : i32
    %c0_i32_0 = arith.constant 0 : i32
    return %arg0, %c0_i32 : i32, i32
  }
  func.func @transform_2(%arg0: i32) -> (i32, i32) {
    %c0_i32 = arith.constant 0 : i32
    %c0_i32_0 = arith.constant 0 : i32
    return %arg0, %c0_i32 : i32, i32
  }
  func.func @transform_3(%arg0: i32) -> i32 {
    %c0_i32 = arith.constant 0 : i32
    return %arg0 : i32
  }
  func.func @transform_4(%arg0: i32) -> i32 {
    %c0_i32 = arith.constant 0 : i32
    return %arg0 : i32
  }
  func.func @transform_5(%arg0: i32) -> (i32, i32) {
    %c0_i32 = arith.constant 0 : i32
    %c0_i32_0 = arith.constant 0 : i32
    %c0_i32_1 = arith.constant 0 : i32
    return %c0_i32, %c0_i32_0 : i32, i32
  }
  func.func @transform_6(%arg0: i32) -> (i32, i32) {
    %c0_i32 = arith.constant 0 : i32
    %c0_i32_0 = arith.constant 0 : i32
    %c0_i32_1 = arith.constant 0 : i32
    return %c0_i32, %c0_i32_0 : i32, i32
  }
  func.func @transform_7(%arg0: i32) -> (i32, i32) {
    %c0_i32 = arith.constant 0 : i32
    %c0_i32_0 = arith.constant 0 : i32
    %c0_i32_1 = arith.constant 0 : i32
    return %c0_i32, %c0_i32_0 : i32, i32
  }
  func.func @transform_8(%arg0: i32) -> (i32, i32) {
    %c0_i32 = arith.constant 0 : i32
    %c0_i32_0 = arith.constant 0 : i32
    %c0_i32_1 = arith.constant 0 : i32
    return %c0_i32, %c0_i32_0 : i32, i32
  }
  func.func @transform_9(%arg0: i32) -> (i32, i32) {
    %c0_i32 = arith.constant 0 : i32
    %c0_i32_0 = arith.constant 0 : i32
    %c0_i32_1 = arith.constant 0 : i32
    return %c0_i32, %c0_i32_0 : i32, i32
  }
  func.func @transform_10(%arg0: i32) -> (i32, i32) {
    %c0_i32 = arith.constant 0 : i32
    %c0_i32_0 = arith.constant 0 : i32
    %c0_i32_1 = arith.constant 0 : i32
    return %c0_i32, %c0_i32_0 : i32, i32
  }
  func.func @transform_11(%arg0: i32) -> (i32, i32) {
    %c0_i32 = arith.constant 0 : i32
    %c0_i32_0 = arith.constant 0 : i32
    %c0_i32_1 = arith.constant 0 : i32
    return %c0_i32, %c0_i32_0 : i32, i32
  }
  func.func @transform_12(%arg0: i32) -> (i32, i32) {
    %c0_i32 = arith.constant 0 : i32
    %c0_i32_0 = arith.constant 0 : i32
    %c0_i32_1 = arith.constant 0 : i32
    return %c0_i32, %c0_i32_0 : i32, i32
  }
  func.func @transform_13(%arg0: i32) -> (i32, i32) {
    %c0_i32 = arith.constant 0 : i32
    %c0_i32_0 = arith.constant 0 : i32
    %c0_i32_1 = arith.constant 0 : i32
    return %c0_i32, %c0_i32_0 : i32, i32
  }
  func.func @transform_14(%arg0: i32) -> (i32, i32) {
    %c0_i32 = arith.constant 0 : i32
    %c0_i32_0 = arith.constant 0 : i32
    %c0_i32_1 = arith.constant 0 : i32
    return %c0_i32, %c0_i32_0 : i32, i32
  }
  func.func @transform_15(%arg0: i32) -> i32 {
    %c0_i32 = arith.constant 0 : i32
    return %arg0 : i32
  }
}

</mosaic_0001>

<sc_bundles>
// kernel: kernel.4.cloned.1.call-start
scs
__scs_entry_jumppad:
0x0: {  	(pc) =	sbr.rel $0x88, $3  }
0x1: {  	(tag) =	ssettag $0x0;
	lr =	simm.s32 $0x1  }
0x2: {  	[smem:$0x3F8F] =	sst lr;
	_ =	strace $0xD0000000  }
0x3: {  	_ = 	snop  }
0x4: {  	_ = 	snop  }
0x5: {  	_ = 	snop  }
0x6: {  	_ = 	snop  }
0x7: {  	_ = 	snop  }
__scs_overlays_trampoline_lowered:
0x8: {  	[smem:$0x3F9E] =	sst s0  }
0x9: {  	[smem:$0x3F9F] =	sst s1  }
0xa: {  	[smem:$0x3FA0] =	sst s2  }
0xb: {  	[smem:$0x3FA1] =	sst s3  }
0xc: {  	[smem:$0x3FA2] =	sst s4  }
0xd: {  	[smem:$0x3FA3] =	sst s5  }
0xe: {  	[smem:$0x3FA4] =	sst s6  }
0xf: {  	[smem:$0x3FA5] =	sst s7  }
0x10: {  	[smem:$0x3FA6] =	sst s8  }
0x11: {  	[smem:$0x3FA7] =	sst s9;
	s0 =	simm.s32 @!p0 $0x0  }
0x12: {  	s1 =	sld [smem:$0x3F8D];
	s0 =	simm.s32 @p0 $0x1  }
0x13: {  	[smem:$0x3FA8] =	sst s0;
	s0 =	simm.s32 @!p1 $0x0  }
0x14: {  	s2 =	sld [smem:$0x3F8C];
	s0 =	simm.s32 @p1 $0x1  }
0x15: {  	[smem:$0x3FA9] =	sst s0;
	s0 =	simm.s32 @!p2 $0x0  }
0x16: {  	s3 =	sld [smem:$0x3FDB];
	s0 =	simm.s32 @p2 $0x1  }
0x17: {  	s4 =	simm.s32 $0x1BF5;
	[smem:$0x3FAB] =	sst s0  }
0x18: {  	s0 =	sld [smem:$0x3F8E];
	_ =	swait.ge [sflag:s4], $0x0  }
0x19: {  	s7 =	sld [smem:$0x3F8F]  }
0x1a: {  	s8 =	sadd.s32 $0xFFFFE003, lr  }
0x1b: {  	s9 =	sadd.s32 $0xFFFFFEF7, lr;
	s5 =	simm.s32 $0xFFFFFFFF;
	p2 =	slt.u32 s8, $0xFFFFF086  }
0x1c: {  	p1 =	slt.u32 s9, $0xF7A;
	s5 =	simm.s32 @!p2 $0x0  }
0x1d: {  	s5 =	simm.s32 @p1 $0x1;
	p0 =	seq.s32 s7, s2  }
0x1e: {  	s7 =	smul.u32 @!p0 $0xF7A, s2;
	p2 =	seq.s32 @!p0 s5, $0x0  }
0x1f: {  	s9 =	smul.u32 $0xF7A, s1;
	s8 =	simm.s32 @!p0 $0x1BF5;
	p2 =	por !p2, p0  }
0x20: {  	[sflag:s8] =	ssyncset.s32 @!p0 $0xFFFFF086;
	s6 =	sadd.s32 @!p0 s3, s7;
	s7 =	simm.s32 @!p0 $0x108  }
0x21: {  	s3 =	sadd.s32 s3, s9;
	s6 =	sadd.s32 @!p0 $0x88, s6;
	s7 =	simm.s32 @p2 $0x1082  }
0x22: {  	[simem:s7], [sflag:s8] =	dma.local @!p0 [hbm:s6], $0xF7A  }
0x23: {  	s9 =	sor.u32 $0xD0000000, s2;
	s6 =	simm.s32 $0x108;
	_ =	swait.ge @!p0 [sflag:s8], $0x0  }
0x24: {  	s3 =	sadd.s32 $0x88, s3;
	s6 =	simm.s32 @!p1 $0x1082;
	[sflag:s4] =	ssyncset.s32 $0xFFFFF086  }
0x25: {  	[simem:s6], [sflag:s4] =	dma.local [hbm:s3], $0xF7A  }
0x26: {  	[smem:$0x3F8F] =	sst s1;
	(tag) =	ssettag s2;
	_ =	strace s9  }
0x27: {  	s1 =	sld [smem:$0x3F9F]  }
0x28: {  	s2 =	sld [smem:$0x3FA0]  }
0x29: {  	s4 =	sld [smem:$0x3FA2]  }
0x2a: {  	p0 =	seq.s32 s5, $0x0;
	s5 =	sld [smem:$0x3FA3]  }
0x2b: {  	s6 =	sld [smem:$0x3FA4]  }
0x2c: {  	s7 =	sld [smem:$0x3FA5]  }
0x2d: {  	s3 =	simm.s32 $0x108;
	s8 =	sld [smem:$0x3FA6]  }
0x2e: {  	s3 =	simm.s32 @!p0 $0x1082;
	s9 =	sld [smem:$0x3FA7]  }
0x2f: {  	lr =	sadd.s32 s0, s3;
	s0 =	sld [smem:$0x3F9E]  }
0x30: {  	s3 =	sld [smem:$0x3FA1]  }
0x31: {  	[smem:$0x3FAA] =	sst s10  }
0x32: {  	s10 =	sld [smem:$0x3FA8];
	_ =	sdelay $0x3  }
0x33: {  	p0 =	seq.s32 s10, $0x1;
	s10 =	sld [smem:$0x3FAA];
	_ =	sdelay $0x3  }
0x34: {  	[smem:$0x3FAA] =	sst s10  }
0x35: {  	s10 =	sld [smem:$0x3FA9];
	_ =	sdelay $0x3  }
0x36: {  	p1 =	seq.s32 s10, $0x1;
	s10 =	sld [smem:$0x3FAA];
	_ =	sdelay $0x3  }
0x37: {  	[smem:$0x3FAA] =	sst s10  }
0x38: {  	s10 =	sld [smem:$0x3FAB]  }
0x39: {  	_ = 	snop;
	(pc) =	sbr.ind lr, $3  }
0x3a: {  	_ = 	snop  }
0x3b: {  	_ = 	snop  }
0x3c: {  	p2 =	seq.s32 s10, $0x1;
	s10 =	sld [smem:$0x3FAA]  }
0x3d: {  	_ =	shalt  }
0x3e: {  	_ =	shalt  }
0x3f: {  	_ =	shalt  }
0x40: {  	_ =	shalt  }
0x41: {  	_ =	shalt  }
0x42: {  	_ =	shalt  }
0x43: {  	_ =	shalt  }
0x44: {  	_ =	shalt  }
0x45: {  	_ =	shalt  }
0x46: {  	_ =	shalt  }
0x47: {  	_ =	shalt  }
0x48: {  	_ =	shalt  }
0x49: {  	_ =	shalt  }
0x4a: {  	_ =	shalt  }
0x4b: {  	_ =	shalt  }
0x4c: {  	_ =	shalt  }
0x4d: {  	_ =	shalt  }
0x4e: {  	_ =	shalt  }
0x4f: {  	_ =	shalt  }
0x50: {  	_ =	shalt  }
0x51: {  	_ =	shalt  }
0x52: {  	_ =	shalt  }
0x53: {  	_ =	shalt  }
0x54: {  	_ =	shalt  }
0x55: {  	_ =	shalt  }
0x56: {  	_ =	shalt  }
0x57: {  	_ =	shalt  }
0x58: {  	_ =	shalt  }
0x59: {  	_ =	shalt  }
0x5a: {  	_ =	shalt  }
0x5b: {  	_ =	shalt  }
0x5c: {  	_ =	shalt  }
0x5d: {  	_ =	shalt  }
0x5e: {  	_ =	shalt  }
0x5f: {  	_ =	shalt  }
0x60: {  	_ =	shalt  }
0x61: {  	_ =	shalt  }
0x62: {  	_ =	shalt  }
0x63: {  	_ =	shalt  }
0x64: {  	_ =	shalt  }
0x65: {  	_ =	shalt  }
0x66: {  	_ =	shalt  }
0x67: {  	_ =	shalt  }
0x68: {  	_ =	shalt  }
0x69: {  	_ =	shalt  }
0x6a: {  	_ =	shalt  }
0x6b: {  	_ =	shalt  }
0x6c: {  	_ =	shalt  }
0x6d: {  	_ =	shalt  }
0x6e: {  	_ =	shalt  }
0x6f: {  	_ =	shalt  }
0x70: {  	_ =	shalt  }
0x71: {  	_ =	shalt  }
0x72: {  	_ =	shalt  }
0x73: {  	_ =	shalt  }
0x74: {  	_ =	shalt  }
0x75: {  	_ =	shalt  }
0x76: {  	_ =	shalt  }
0x77: {  	_ =	shalt  }
0x78: {  	_ =	shalt  }
0x79: {  	_ =	shalt  }
0x7a: {  	_ =	shalt  }
0x7b: {  	_ =	shalt  }
0x7c: {  	_ =	shalt  }
0x7d: {  	_ =	shalt  }
0x7e: {  	_ =	shalt  }
0x7f: {  	_ =	shalt  }
0x80: {  	_ =	shalt  }
0x81: {  	_ =	shalt  }
0x82: {  	_ =	shalt  }
0x83: {  	_ =	shalt  }
0x84: {  	_ =	shalt  }
0x85: {  	_ =	shalt  }
0x86: {  	_ =	shalt  }
0x87: {  	_ =	shalt  }
.Lfunc_end0:
.L_simem_size_0:
called_computation_lowered:
.L_overlay_start_0:
0x88: {  	s2 =	sld [smem:$0x3FD9]  }
0x89: {  	s3 =	sld [smem:$0x3FFE];
	_ =	sdelay $0x1  }
0x8a: {  	s1 =	srdreg.scid  }
0x8b: {  	s0 =	sand.u32 $0x1, s1  }
0x8c: {  	s17 =	sshll.u32 s0, $0xA;
	s2 =	sadd.s32 s3, s2  }
0x8d: {  	s2 =	sadd.s32 s2, s17  }
0x8e: {  	[smem:$0x3FB6] =	sst s2  }
0x8f: {  	_ = 	snop  }
0x90: {  	s2 =	sld [smem:$0x3FC9]  }
0x91: {  	s18 =	sld [smem:$0x3FC8]  }
0x92: {  	s4 =	sld [smem:$0x3FD0];
	(tm) =	ssettm $0x1  }
0x93: {  	s5 =	sld [smem:$0x3FFB];
	_ =	sdelay $0x3  }
0x94: {  	_ =	strace s5  }
0x95: {  	s5 =	sld [smem:$0x3FFC];
	_ =	sdelay $0x3  }
0x96: {  	_ =	strace s5  }
0x97: {  	s5 =	sld [smem:$0x3FFD];
	_ =	sdelay $0x3  }
0x98: {  	_ =	strace s5  }
0x99: {  	_ =	strace $0x8FFFFFFF  }
0x9a: {  	s19 =	sld [smem:$0x3FDB];
	_ =	sdelay $0x1  }
0x9b: {  	s6 =	simm.s32 $_scs_section_size  }
0x9c: {  	s7 =	simm.s32 $_size__tile_overlayer_lowered;
	s8 =	simm.s32 $_tile_overlayer_lowered  }
0x9d: {  	s22 =	simm.s32 $0x1BFF;
	s21 =	sshll.u32 s8, $0x1;
	s5 =	sadd.s32 s6, s19  }
0x9e: {  	s9 =	simm.s32 $0x0;
	s20 =	sshll.u32 s7, $0x1;
	s7 =	sadd.s32 s21, s5  }
0x9f: {  	[timem:s9], [sflag:s22] =	dma.local [hbm:s7], s20  }
0xa0: {  	_ =	swait.ge [sflag:s22], s20  }
0xa1: {  	s6 =	ssub.s32 $0x0, s20;
	[sflag:s22] =	ssyncset.done $0x0  }
0xa2: {  	[sflag:s22] =	ssyncadd.s32 s6;
	_ =	sdelay $0x1  }
0xa3: {  	s23 =	simm.s32 $0x1B8B  }
0xa4: {  	_ =	swait.ge [sflag:s23], $0x1  }
0xa5: {  	[sflag:s23] =	ssyncset.done $0x0  }
0xa6: {  	s25 =	simm.s32 $0x1B8E;
	s24 =	sld [smem:$0x3FFE];
	[sflag:s23] =	ssyncadd.s32 $0xFFFFFFFF  }
0xa7: {  	s26 =	simm.s32 $execute0_lowered;
	[smem:$0x3FD2] =	sst s25  }
0xa8: {  	s7 =	sshll.u32 s26, $0x1;
	_ =	strace $0x80000046;
	[dreg:$0x1] =	wrdreg $0xFFFFFFFF  }
0xa9: {  	s28 =	simm.s32 $_size_execute0_lowered;
	s5 =	sadd.s32 s5, s7;
	[dreg:$0x0] =	wrdreg $0x0  }
0xaa: {  	s7 =	sshll.u32 s28, $0x1;
	[dreg:$0x2] =	wrdreg s5  }
0xab: {  	[dreg:$0x3] =	wrdreg s7  }
0xac: {  	[dreg:$0x4] =	wrdreg $0xC0  }
0xad: {  	_ =	task [dreg:s9], $0x5FFFF  }
0xae: {  	[dreg:$0x1] =	wrdreg $0xFFFFFFFF  }
0xaf: {  	[dreg:$0x0] =	wrdreg $0x60  }
0xb0: {  	[dreg:$0x2] =	wrdreg s24  }
0xb1: {  	[dreg:$0x3] =	wrdreg s2  }
0xb2: {  	[dreg:$0x4] =	wrdreg s18  }
0xb3: {  	[dreg:$0x5] =	wrdreg s4  }
0xb4: {  	[dreg:$0x6] =	wrdreg $0x9  }
0xb5: {  	_ =	task.clear_ibuf [dreg:s9], $0x7FFFF;
	_ =	strace $0x90000046  }
0xb6: {  	s29 =	simm.s32 $0x9;
	_ =	strace $0x80000048  }
0xb7: {  	_ =	swait.ge [sflag:s29], $0x1  }
0xb8: {  	[sflag:s29] =	ssyncadd.s32 $0xFFFFFFFF  }
0xb9: {  	_ =	strace $0x90000048  }
0xba: {  	_ =	sfence  }
0xbb: {  	s30 =	sld [smem:$0x0];
	_ =	sdelay $0x2  }
0xbc: {  	s31 =	sshll.u32 s1, $0xD;
	s1 =	sshrl.u32 s1, $0x2  }
0xbd: {  	s3 =	sand.u32 $0x4000, s31;
	s1 =	sadd.s32 s1, s30  }
0xbe: {  	s0 =	sor.u32 s3, s0;
	s1 =	sshll.u32 s1, $0x11  }
0xbf: {  	s0 =	sor.u32 s1, s0  }
0xc0: {  	s0 =	sadd.s32 $0x8F2B, s0  }
0xc1: {  	[sflag:s0] =	ssyncadd.remote.s32 $0x1  }
0xc2: {  	_ =	sfence.sel $0xFFFF  }
0xc3: {  	[dreg:$0x0] =	wrdreg $0xFFFFFFFF;
	(pc) =	sbr.abs _section_cstart, $3  }
0xc4: {  	[dreg:$0x1] =	wrdreg $0xFFFFFFFF  }
0xc5: {  	_ =	task.clear_ibuf [dreg:s9], $0x2FFFF;
	_ =	strace $0x9FFFFFFF  }
0xc6: {  	(tm) =	ssettm $0x7FFFFFFF  }
0xc7: {  	_ =	shalt  }
tec
execute0_lowered:
.L_overlay_start_1:
0x0: {  	(tag) =	ssettag $0x1  }
0x1: {  	s22 =	rddreg [dreg:$0x0]  }
0x2: {  	s3 =	rddreg [dreg:$0x1];
	s1 =	srdreg.scid  }
0x3: {  	s5 =	rddreg [dreg:$0x2];
	s0 =	stileid.u32;
	s21 =	sand.u32 $0x1, s1  }
0x4: {  	s20 =	rddreg [dreg:$0x3];
	s4 =	sshll.u32 s0, $0xA;
	s6 =	sshll.u32 s21, $0x9  }
0x5: {  	s2 =	simm.s32 $0x0;
	s1 =	rddreg [dreg:$0x4];
	s16 =	sor.u32 s6, s4  }
0x6: {  	[smem:$0x7FF] =	sst s2;
	s23 =	sshrl.u32 s16, $0x3  }
0x7: {  	_ =	strace $0x80000047;
	s4 =	sadd.s32 s3, s23;
	s3 =	simm.s32 $0x5  }
0x8: {  	[tilespmem:s2], [sflag:$0x5] =	stream.linear.gather [hbm4b:s4+s2], $0x200, $0x38;
	[tilespmem:$0x4800] =	vst v63  }
0x9: {  	_ =	swait.ge [sflag:s3], $0x200  }
0xa: {  	[sflag:s3] =	ssyncset.done $0x0  }
0xb: {  	s6 =	simm.s32 $0x200;
	s5 =	sadd.s32 s5, s23;
	[sflag:s3] =	ssyncadd.s32 $0xFFFFFE00  }
0xc: {  	[tilespmem:s6], [sflag:$0x5] =	stream.linear.gather [hbm4b:s5+s2], $0x200, $0x38;
	[tilespmem:$0x4800] =	vst v63  }
0xd: {  	_ =	swait.ge [sflag:s3], $0x200  }
0xe: {  	[sflag:s3] =	ssyncset.done $0x0  }
0xf: {  	s8 =	simm.s32 $0x400;
	s7 =	sadd.s32 $0x112C800, s22;
	[sflag:s3] =	ssyncadd.s32 $0xFFFFFE00  }
0x10: {  	[tilespmem:s8], [sflag:$0x1] =	stream.indirect.gather [hbm4b:s7+s6], $0x10, s2, s6, $0xb8;
	[tilespmem:$0x4800] =	vst v63  }
0x11: {  	s10 =	simm.s32 $0x2400;
	s9 =	sadd.s32 $0xF44200, s22  }
0x12: {  	[tilespmem:s10], [sflag:$0x2] =	stream.indirect.gather [hbm4b:s9+s6], $0x10, s6, s6, $0xb8;
	[tilespmem:$0x4800] =	vst v63  }
0x13: {  	s12 =	simm.s32 $0x4400;
	s11 =	sadd.s32 $0x20800, s22  }
0x14: {  	[tilespmem:s12], [sflag:$0x3] =	stream.indirect.gather [hbm4b:s11+s6], $0x1, s2, s6, $0xb8;
	[tilespmem:$0x4800] =	vst v63  }
0x15: {  	s14 =	simm.s32 $0x4600;
	s15 =	simm.s32 $0x1;
	s13 =	sadd.s32 $0x1E00, s22  }
0x16: {  	[tilespmem:s14], [sflag:$0x4] =	stream.indirect.gather [hbm4b:s13+s6], $0x1, s6, s6, $0xb8;
	[tilespmem:$0x4800] =	vst v63  }
0x17: {  	s16 =	sshll.u32 s16, $0x1;
	_ =	swait.ge [sflag:s15], $0x2000  }
0x18: {  	s18 =	sadd.s32 s16, s22;
	[sflag:s15] =	ssyncset.done $0x0  }
0x19: {  	s16 =	sadd.s32 $0x47200, s18;
	[sflag:s15] =	ssyncadd.s32 $0xFFFFE000  }
0x1a: {  	[hbm4b:s16+s2] =	stream.linear.scatter [tilespmem:s8], [sflag:$0x5], $0x2000, $0x38;
	[tilespmem:$0x4800] =	vst v63  }
0x1b: {  	_ =	swait.ge [sflag:s3], $0x2000  }
0x1c: {  	[sflag:s3] =	ssyncset.done $0x0  }
0x1d: {  	s17 =	simm.s32 $0x2;
	[sflag:s3] =	ssyncadd.s32 $0xFFFFE000  }
0x1e: {  	_ =	swait.ge [sflag:s17], $0x2000  }
0x1f: {  	[sflag:s17] =	ssyncset.done $0x0  }
0x20: {  	s18 =	sadd.s32 $0x3F200, s18;
	[sflag:s17] =	ssyncadd.s32 $0xFFFFE000  }
0x21: {  	[hbm4b:s18+s2] =	stream.linear.scatter [tilespmem:s10], [sflag:$0x5], $0x2000, $0x38;
	[tilespmem:$0x4800] =	vst v63  }
0x22: {  	_ =	swait.ge [sflag:s3], $0x2000  }
0x23: {  	[sflag:s3] =	ssyncset.done $0x0  }
0x24: {  	s19 =	simm.s32 $0x3;
	[sflag:s3] =	ssyncadd.s32 $0xFFFFE000  }
0x25: {  	_ =	swait.ge [sflag:s19], $0x200  }
0x26: {  	[sflag:s19] =	ssyncset.done $0x0  }
0x27: {  	s24 =	ssub.s32 $0x2, s21;
	s20 =	sadd.s32 s20, s23;
	[sflag:s19] =	ssyncadd.s32 $0xFFFFFE00  }
0x28: {  	[hbm4b:s20+s2] =	stream.linear.scatter [tilespmem:s12], [sflag:$0x5], $0x200, $0x38;
	[tilespmem:$0x4800] =	vst v63  }
0x29: {  	s25 =	sshrl.u32 s24, $0x1;
	_ =	swait.ge [sflag:s3], $0x200  }
0x2a: {  	s21 =	simm.s32 $0x4;
	s31 =	ssub.s32 s24, s25;
	[sflag:s3] =	ssyncset.done $0x0  }
0x2b: {  	s22 =	sadd.s32 s23, s22;
	s23 =	smax.u32 s31, $0x1;
	[sflag:s3] =	ssyncadd.s32 $0xFFFFFE00  }
0x2c: {  	p0 =	sne.s32 s23, $0x1;
	_ =	swait.ge [sflag:s21], $0x200  }
.Ltmp0:
0x2d: {  	[sflag:s21] =	ssyncset.done $0x0;
	(pc) =	sbr.rel @!p0 .LBB2_2-.Ltmp0, $4  }
0x2e: {  	s22 =	sadd.s32 $0x4F200, s22;
	[sflag:s21] =	ssyncadd.s32 $0xFFFFFE00  }
0x2f: {  	[hbm4b:s22+s2] =	stream.linear.scatter [tilespmem:s14], [sflag:$0x5], $0x200, $0x38;
	[tilespmem:$0x4800] =	vst v63  }
0x30: {  	_ =	swait.ge [sflag:s3], $0x200  }
0x31: {  	s23 =	sadd.s32 $0xFFFFFFFF, s23;
	[sflag:s3] =	ssyncset.done $0x0  }
.LBB2_1:
0x32: {  	p0 =	sne.s32 s23, $0x1;
	s23 =	sadd.s32 $0xFFFFFFFF, s23;
	[sflag:s3] =	ssyncadd.s32 $0xFFFFFE00  }
0x33: {  	[tilespmem:s2], [sflag:$0x5] =	stream.linear.gather [hbm4b:s4+s2], $0x200, $0x38;
	[tilespmem:$0x4800] =	vst v63  }
0x34: {  	_ =	swait.ge [sflag:s3], $0x200  }
0x35: {  	[sflag:s3] =	ssyncset.done $0x0  }
0x36: {  	[sflag:s3] =	ssyncadd.s32 $0xFFFFFE00  }
0x37: {  	[tilespmem:s6], [sflag:$0x5] =	stream.linear.gather [hbm4b:s5+s2], $0x200, $0x38;
	[tilespmem:$0x4800] =	vst v63  }
0x38: {  	_ =	swait.ge [sflag:s3], $0x200  }
0x39: {  	[sflag:s3] =	ssyncset.done $0x0  }
0x3a: {  	[sflag:s3] =	ssyncadd.s32 $0xFFFFFE00  }
0x3b: {  	[tilespmem:s8], [sflag:$0x1] =	stream.indirect.gather [hbm4b:s7+s6], $0x10, s2, s6, $0xb8;
	[tilespmem:$0x4800] =	vst v63  }
0x3c: {  	_ = 	snop  }
0x3d: {  	[tilespmem:s10], [sflag:$0x2] =	stream.indirect.gather [hbm4b:s9+s6], $0x10, s6, s6, $0xb8;
	[tilespmem:$0x4800] =	vst v63  }
0x3e: {  	_ = 	snop  }
0x3f: {  	[tilespmem:s12], [sflag:$0x3] =	stream.indirect.gather [hbm4b:s11+s6], $0x1, s2, s6, $0xb8;
	[tilespmem:$0x4800] =	vst v63  }
0x40: {  	_ = 	snop  }
0x41: {  	[tilespmem:s14], [sflag:$0x4] =	stream.indirect.gather [hbm4b:s13+s6], $0x1, s6, s6, $0xb8;
	[tilespmem:$0x4800] =	vst v63  }
0x42: {  	_ =	swait.ge [sflag:s15], $0x2000  }
0x43: {  	[sflag:s15] =	ssyncset.done $0x0  }
0x44: {  	[sflag:s15] =	ssyncadd.s32 $0xFFFFE000  }
0x45: {  	[hbm4b:s16+s2] =	stream.linear.scatter [tilespmem:s8], [sflag:$0x5], $0x2000, $0x38;
	[tilespmem:$0x4800] =	vst v63  }
0x46: {  	_ =	swait.ge [sflag:s3], $0x2000  }
0x47: {  	[sflag:s3] =	ssyncset.done $0x0  }
0x48: {  	[sflag:s3] =	ssyncadd.s32 $0xFFFFE000  }
0x49: {  	_ =	swait.ge [sflag:s17], $0x2000  }
0x4a: {  	[sflag:s17] =	ssyncset.done $0x0  }
0x4b: {  	[sflag:s17] =	ssyncadd.s32 $0xFFFFE000  }
0x4c: {  	[hbm4b:s18+s2] =	stream.linear.scatter [tilespmem:s10], [sflag:$0x5], $0x2000, $0x38;
	[tilespmem:$0x4800] =	vst v63  }
0x4d: {  	_ =	swait.ge [sflag:s3], $0x2000  }
0x4e: {  	[sflag:s3] =	ssyncset.done $0x0  }
0x4f: {  	[sflag:s3] =	ssyncadd.s32 $0xFFFFE000  }
0x50: {  	_ =	swait.ge [sflag:s19], $0x200  }
0x51: {  	[sflag:s19] =	ssyncset.done $0x0  }
0x52: {  	[sflag:s19] =	ssyncadd.s32 $0xFFFFFE00  }
0x53: {  	[hbm4b:s20+s2] =	stream.linear.scatter [tilespmem:s12], [sflag:$0x5], $0x200, $0x38;
	[tilespmem:$0x4800] =	vst v63  }
0x54: {  	_ =	swait.ge [sflag:s3], $0x200  }
0x55: {  	[sflag:s3] =	ssyncset.done $0x0  }
0x56: {  	[sflag:s3] =	ssyncadd.s32 $0xFFFFFE00  }
0x57: {  	_ =	swait.ge [sflag:s21], $0x200  }
.Ltmp1:
0x58: {  	[sflag:s21] =	ssyncset.done $0x0;
	(pc) =	sbr.rel @p0 .LBB2_1-.Ltmp1, $4  }
0x59: {  	[sflag:s21] =	ssyncadd.s32 $0xFFFFFE00  }
0x5a: {  	[hbm4b:s22+s2] =	stream.linear.scatter [tilespmem:s14], [sflag:$0x5], $0x200, $0x38;
	[tilespmem:$0x4800] =	vst v63  }
0x5b: {  	_ =	swait.ge [sflag:s3], $0x200  }
0x5c: {  	[sflag:s3] =	ssyncset.done $0x0  }
.LBB2_2:
0x5d: {  	[sflag:s3] =	ssyncadd.s32 $0xFFFFFE00  }
0x5e: {  	_ =	sfence.sel $0x180000  }
0x5f: {  	[bflag:$0x0] =	sbarrier.arrive $0xFFFF  }
0x60: {  	p0 =	sne.s32 s0, $0x0;
	_ =	strace $0x90000047  }
0x61: {  	s0 =	sadd.s32 @!p0 $0x100000, s1;
	[bflag:$0x2] =	sbarrier.arrive $0xFFFF  }
0x62: {  	[sflag:s0] =	ssyncadd.tile.s32 @!p0 $0x1;
	_ =	shalt  }
.Lfunc_end2:
_tile_overlayer_lowered:
.L_overlay_start_2:
0x63: {  	(tag) =	ssettag $0x2  }
0x64: {  	s0 =	rddreg [dreg:$0x0];
	s2 =	stileid.u32  }
0x65: {  	s1 =	rddreg [dreg:$0x1];
	p0 =	sne.s32 s2, $0x0  }
0x66: {  	s3 =	rddreg [dreg:$0x2];
	[bflag:$0x3] =	sbarrier.arrive $0xFFFF;
	s2 =	simm.s32 @!p0 $0x1C05  }
0x67: {  	[timem:s3], [sflag:s2] =	dma.local @!p0 [hbm:s0], s1  }
0x68: {  	s0 =	simm.s32 @!p0 $0x5  }
0x69: {  	_ =	swait.ge @!p0 [sflag:s0], s1  }
0x6a: {  	s1 =	ssub.s32 @!p0 $0x0, s1;
	[sflag:s0] =	ssyncset.done @!p0 $0x0  }
0x6b: {  	[sflag:s0] =	ssyncadd.s32 @!p0 s1  }
0x6c: {  	[bflag:$0x3] =	sbarrier.arrive $0xFFFF  }
0x6d: {  	_ =	shalt  }

</sc_bundles>
